<compile_context>
chip_gen: v7x
topology: tpu7x:2x2x1
jax: 0.10.2.dev20260603
libtpu: 0.0.44.dev20260713+nightly
codegen_flags: <defaults>
</compile_context>

<pallas_src>
import functools

import jax
import jax.numpy as jnp
from jax import lax
from jax.experimental import pallas as pl
from jax.experimental.pallas import tpu as pltpu
from jax.experimental.pallas import tpu_sc as plsc

N = 100000
D = 128
VOCAB_PAD = 84
CHUNK = 400
NCHUNK = N // CHUNK
NC = 2
NS = 16
NW = NC * NS
ITERS = (NCHUNK + NW - 1) // NW

_mesh = plsc.VectorSubcoreMesh(core_axis_name="c", subcore_axis_name="s")


@functools.partial(
    pl.kernel,
    mesh=_mesh,
    out_type=jax.ShapeDtypeStruct((N, D), jnp.float32),
    scratch_types=[
        pltpu.VMEM((CHUNK,), jnp.int32),
        pltpu.VMEM((CHUNK,), jnp.int32),
        pltpu.VMEM((CHUNK, D), jnp.float32),
        pltpu.VMEM((CHUNK, D), jnp.float32),
        pltpu.VMEM_SHARED((VOCAB_PAD, D), jnp.float32),
        pltpu.SemaphoreType.DMA,
        pltpu.SemaphoreType.DMA,
        pltpu.SemaphoreType.DMA,
        pltpu.SemaphoreType.DMA,
        pltpu.SemaphoreType.DMA,
        pltpu.SemaphoreType.DMA,
    ],
)
def _emb(table_hbm, idx_hbm, out_hbm,
         ibuf0, ibuf1, rbuf0, rbuf1, table_sp, si0, si1, sg0, sg1, sw0, sw1):
    ibuf = (ibuf0, ibuf1)
    rbuf = (rbuf0, rbuf1)
    si = (si0, si1)
    sg = (sg0, sg1)
    sw = (sw0, sw1)
    wid = lax.axis_index("s") * NC + lax.axis_index("c")

    for i in range(2):
        c = wid + i * NW

        @pl.when(c < NCHUNK)
        def _(i=i, c=c):
            pltpu.async_copy(idx_hbm.at[pl.ds(c * CHUNK, CHUNK)], ibuf[i], si[i])

    sid = lax.axis_index("s")

    @pl.when(sid < 10)
    def _():
        off = pl.multiple_of(8 * sid, 8)
        pltpu.sync_copy(table_hbm.at[pl.ds(off, 8)],
                        table_sp.at[pl.ds(1 + off, 8)])

    @pl.when(sid == 10)
    def _():
        pltpu.sync_copy(table_hbm.at[pl.ds(80, 3)],
                        table_sp.at[pl.ds(81, 3)])

    plsc.subcore_barrier()

    def step(i, carry):
        c = wid + i * NW

        def run(b):
            @pl.when(c < NCHUNK)
            def _():
                base = c * CHUNK
                pltpu.make_async_copy(
                    idx_hbm.at[pl.ds(base, CHUNK)], ibuf[b], si[b]).wait()

                @pl.when(i >= 2)
                def _():
                    pltpu.make_async_copy(
                        rbuf[b], out_hbm.at[pl.ds(base, CHUNK)], sw[b]).wait()

                H = CHUNK // 2
                for h in range(2):
                    pltpu.async_copy(
                        table_sp.at[ibuf[b].at[pl.ds(h * H, H)]],
                        rbuf[b].at[pl.ds(h * H, H)], sg[b]).wait()
                    pltpu.async_copy(rbuf[b].at[pl.ds(h * H, H)],
                                     out_hbm.at[pl.ds(base + h * H, H)], sw[b])

            c2 = wid + (i + 2) * NW

            @pl.when(c2 < NCHUNK)
            def _():
                pltpu.async_copy(
                    idx_hbm.at[pl.ds(c2 * CHUNK, CHUNK)], ibuf[b], si[b])

        @pl.when(i % 2 == 0)
        def _():
            run(0)

        @pl.when(i % 2 == 1)
        def _():
            run(1)

        return carry

    lax.fori_loop(0, ITERS, step, 0)

    for i in range(max(ITERS - 2, 0), ITERS):
        b = i & 1
        c = wid + i * NW

        @pl.when(c < NCHUNK)
        def _(b=b, c=c):
            pltpu.make_async_copy(
                rbuf[b], out_hbm.at[pl.ds(c * CHUNK, CHUNK)], sw[b]).wait()


def kernel(Z, W):
    return _emb(W, Z.astype(jnp.int32))

# --- scband reference (transcript-rebuilt; emitter-appended) ---
"""Pipeline reference for scband-atom-embedding-85418309582848 (READ-ONLY COPY).

The authoritative reference and input builder live on the scoring server;
editing this copy changes nothing except your own understanding.
"""

import jax, jax.numpy as jnp
import numpy as np

EMB_SIZE = 128
N_ATOMS = 100000
VOCAB = 83

def setup_inputs(seed: int = 0) -> dict:
    key = jax.random.key(seed)
    k_z, k_w = jax.random.split(key)
    # Atom numbers Z are 1-indexed (1..83), as expected by forward's (Z - 1)
    Z = jax.random.randint(k_z, (N_ATOMS,), 1, VOCAB + 1, dtype=jnp.int64)
    # Embedding table initialized uniform(-sqrt(3), sqrt(3)) per the torch module
    W = jax.random.uniform(k_w, (VOCAB, EMB_SIZE), dtype=jnp.float32,
                           minval=-np.sqrt(3.0), maxval=np.sqrt(3.0))
    return {"Z": Z, "W": W}

def reference(Z, W):
    # h = embeddings(Z - 1)
    h = jnp.take(W, Z - 1, axis=0)
    return h

if __name__ == "__main__":
    import jax
    _d = setup_inputs()
    print(jax.jit(kernel)(*tuple(_d.values())))

</pallas_src>

<mosaic_0001>
#map = affine_map<(d0, d1) -> (0, 0)>
#map1 = affine_map<(d0, d1) -> (0)>
module attributes {stable_mosaic.version = 14 : i64} {
  func.func @_emb(%arg0: i32, %arg1: i32, %arg2: memref<83x128xf32, #tpu.memory_space<hbm>>, %arg3: memref<100000xi32, #tpu.memory_space<hbm>>, %arg4: memref<100000x128xf32, #tpu.memory_space<hbm>>, %arg5: memref<400xi32, #tpu.memory_space<vmem>>, %arg6: memref<400xi32, #tpu.memory_space<vmem>>, %arg7: memref<400x128xf32, #tpu.memory_space<vmem>>, %arg8: memref<400x128xf32, #tpu.memory_space<vmem>>, %arg9: memref<84x128xf32, #tpu.memory_space<vmem_shared>>, %arg10: memref<!tpu.dma_semaphore, #tpu.memory_space<semaphore_mem>>, %arg11: memref<!tpu.dma_semaphore, #tpu.memory_space<semaphore_mem>>, %arg12: memref<!tpu.dma_semaphore, #tpu.memory_space<semaphore_mem>>, %arg13: memref<!tpu.dma_semaphore, #tpu.memory_space<semaphore_mem>>, %arg14: memref<!tpu.dma_semaphore, #tpu.memory_space<semaphore_mem>>, %arg15: memref<!tpu.dma_semaphore, #tpu.memory_space<semaphore_mem>>) attributes {dimension_semantics = [#tpu.dimension_semantics<core_parallel>, #tpu.dimension_semantics<subcore_parallel>], iteration_bounds = array<i64: 2, 16>, scalar_prefetch = 0 : i64, scratch_operands = 11 : i64, tpu.core_type = #tpu.core_type<sc_vector_subcore>, window_params = [{transform_indices = #map}, {transform_indices = #map1}, {transform_indices = #map}]} {
    %mul3A = arith.constant 2 : i32
    %mul3A_0 = arith.muli %arg1, %mul3A : i32
    %add3A = arith.addi %mul3A_0, %arg0 : i32
    %add3A_1 = arith.constant 0 : i32
    %add3A_2 = arith.addi %add3A, %add3A_1 : i32
    %lt3A = arith.constant 250 : i32
    %lt3A_3 = arith.cmpi slt, %add3A_2, %lt3A : i32
    %convert_element_type3A = arith.extui %lt3A_3 : i1 to i32
    %cond3A = arith.constant 0 : i32
    %cond3A_4 = arith.cmpi ne, %convert_element_type3A, %cond3A : i32
    scf.if %cond3A_4 {
      %mul3A_40 = arith.constant 400 : i32
      %mul3A_41 = arith.muli %add3A_2, %mul3A_40 : i32
      %dma_start3A = tpu.memref_slice %arg3[%mul3A_41] : memref<100000xi32, #tpu.memory_space<hbm>> -> memref<400xi32, #tpu.memory_space<hbm>>
      %dma_start3A_42 = tpu.memref_slice %arg3[%mul3A_41] : memref<100000xi32, #tpu.memory_space<hbm>> -> memref<400xi32, #tpu.memory_space<hbm>>
      tpu.enqueue_dma source(%dma_start3A_42 : memref<400xi32, #tpu.memory_space<hbm>>) target(%arg5 : memref<400xi32, #tpu.memory_space<vmem>>) target_semaphore(%arg10 : memref<!tpu.dma_semaphore, #tpu.memory_space<semaphore_mem>>)
    } else {
    }
    %add3A_5 = arith.constant 32 : i32
    %add3A_6 = arith.addi %add3A, %add3A_5 : i32
    %lt3A_7 = arith.constant 250 : i32
    %lt3A_8 = arith.cmpi slt, %add3A_6, %lt3A_7 : i32
    %convert_element_type3A_9 = arith.extui %lt3A_8 : i1 to i32
    %cond3A_10 = arith.constant 0 : i32
    %cond3A_11 = arith.cmpi ne, %convert_element_type3A_9, %cond3A_10 : i32
    scf.if %cond3A_11 {
      %mul3A_40 = arith.constant 400 : i32
      %mul3A_41 = arith.muli %add3A_6, %mul3A_40 : i32
      %dma_start3A = tpu.memref_slice %arg3[%mul3A_41] : memref<100000xi32, #tpu.memory_space<hbm>> -> memref<400xi32, #tpu.memory_space<hbm>>
      %dma_start3A_42 = tpu.memref_slice %arg3[%mul3A_41] : memref<100000xi32, #tpu.memory_space<hbm>> -> memref<400xi32, #tpu.memory_space<hbm>>
      tpu.enqueue_dma source(%dma_start3A_42 : memref<400xi32, #tpu.memory_space<hbm>>) target(%arg6 : memref<400xi32, #tpu.memory_space<vmem>>) target_semaphore(%arg11 : memref<!tpu.dma_semaphore, #tpu.memory_space<semaphore_mem>>)
    } else {
    }
    %lt3A_12 = arith.constant 10 : i32
    %lt3A_13 = arith.cmpi slt, %arg1, %lt3A_12 : i32
    %convert_element_type3A_14 = arith.extui %lt3A_13 : i1 to i32
    %cond3A_15 = arith.constant 0 : i32
    %cond3A_16 = arith.cmpi ne, %convert_element_type3A_14, %cond3A_15 : i32
    scf.if %cond3A_16 {
      %mul3A_40 = arith.constant 8 : i32
      %mul3A_41 = arith.muli %mul3A_40, %arg1 : i32
      %multiple_of3A = tpu.assume_multiple %mul3A_41, 8 : i32
      %add3A_42 = arith.constant 1 : i32
      %add3A_43 = arith.addi %add3A_42, %multiple_of3A : i32
      "tpu.region"() ({
        %run_scoped3A = tpu.sem_alloc : memref<!tpu.dma_semaphore, #tpu.memory_space<semaphore_mem>>
        %dma_start3A = arith.constant 0 : i32
        %dma_start3A_44 = tpu.memref_slice %arg9[%add3A_43, %dma_start3A] : memref<84x128xf32, #tpu.memory_space<vmem_shared>> -> memref<8x128xf32, #tpu.memory_space<vmem_shared>>
        %dma_start3A_45 = arith.constant 0 : i32
        %dma_start3A_46 = tpu.memref_slice %arg2[%multiple_of3A, %dma_start3A_45] : memref<83x128xf32, #tpu.memory_space<hbm>> -> memref<8x128xf32, #tpu.memory_space<hbm>>
        tpu.enqueue_dma source(%dma_start3A_46 : memref<8x128xf32, #tpu.memory_space<hbm>>) target(%dma_start3A_44 : memref<8x128xf32, #tpu.memory_space<vmem_shared>>) target_semaphore(%run_scoped3A : memref<!tpu.dma_semaphore, #tpu.memory_space<semaphore_mem>>)
        %dma_wait3A = arith.constant 0 : i32
        %dma_wait3A_47 = tpu.memref_slice %arg9[%add3A_43, %dma_wait3A] : memref<84x128xf32, #tpu.memory_space<vmem_shared>> -> memref<8x128xf32, #tpu.memory_space<vmem_shared>>
        %dma_wait3A_48 = arith.constant 0 : i32
        %dma_wait3A_49 = tpu.memref_slice %arg2[%multiple_of3A, %dma_wait3A_48] : memref<83x128xf32, #tpu.memory_space<hbm>> -> memref<8x128xf32, #tpu.memory_space<hbm>>
        tpu.wait_dma2 semaphore(%run_scoped3A : memref<!tpu.dma_semaphore, #tpu.memory_space<semaphore_mem>>) src(%dma_wait3A_49 : memref<8x128xf32, #tpu.memory_space<hbm>>) dst(%dma_wait3A_47 : memref<8x128xf32, #tpu.memory_space<vmem_shared>>)
        tpu.yield
      }) : () -> ()
    } else {
    }
    %eq3A = arith.constant 10 : i32
    %eq3A_17 = arith.cmpi eq, %arg1, %eq3A : i32
    %convert_element_type3A_18 = arith.extui %eq3A_17 : i1 to i32
    %cond3A_19 = arith.constant 0 : i32
    %cond3A_20 = arith.cmpi ne, %convert_element_type3A_18, %cond3A_19 : i32
    scf.if %cond3A_20 {
      "tpu.region"() ({
        %run_scoped3A = tpu.sem_alloc : memref<!tpu.dma_semaphore, #tpu.memory_space<semaphore_mem>>
        %dma_start3A = arith.constant 81 : i32
        %dma_start3A_40 = arith.constant 0 : i32
        %dma_start3A_41 = tpu.memref_slice %arg9[%dma_start3A, %dma_start3A_40] : memref<84x128xf32, #tpu.memory_space<vmem_shared>> -> memref<3x128xf32, #tpu.memory_space<vmem_shared>>
        %dma_start3A_42 = arith.constant 80 : i32
        %dma_start3A_43 = arith.constant 0 : i32
        %dma_start3A_44 = tpu.memref_slice %arg2[%dma_start3A_42, %dma_start3A_43] : memref<83x128xf32, #tpu.memory_space<hbm>> -> memref<3x128xf32, #tpu.memory_space<hbm>>
        tpu.enqueue_dma source(%dma_start3A_44 : memref<3x128xf32, #tpu.memory_space<hbm>>) target(%dma_start3A_41 : memref<3x128xf32, #tpu.memory_space<vmem_shared>>) target_semaphore(%run_scoped3A : memref<!tpu.dma_semaphore, #tpu.memory_space<semaphore_mem>>)
        %dma_wait3A = arith.constant 81 : i32
        %dma_wait3A_45 = arith.constant 0 : i32
        %dma_wait3A_46 = tpu.memref_slice %arg9[%dma_wait3A, %dma_wait3A_45] : memref<84x128xf32, #tpu.memory_space<vmem_shared>> -> memref<3x128xf32, #tpu.memory_space<vmem_shared>>
        %dma_wait3A_47 = arith.constant 80 : i32
        %dma_wait3A_48 = arith.constant 0 : i32
        %dma_wait3A_49 = tpu.memref_slice %arg2[%dma_wait3A_47, %dma_wait3A_48] : memref<83x128xf32, #tpu.memory_space<hbm>> -> memref<3x128xf32, #tpu.memory_space<hbm>>
        tpu.wait_dma2 semaphore(%run_scoped3A : memref<!tpu.dma_semaphore, #tpu.memory_space<semaphore_mem>>) src(%dma_wait3A_49 : memref<3x128xf32, #tpu.memory_space<hbm>>) dst(%dma_wait3A_46 : memref<3x128xf32, #tpu.memory_space<vmem_shared>>)
        tpu.yield
      }) : () -> ()
    } else {
    }
    %barrier3A = arith.constant 0 : index
    tpu.barrier barrier_id(%barrier3A)
    %scan3A = arith.constant 0 : i32
    %scan3A_21 = arith.constant 0 : i32
    %scan3A_22 = arith.constant 8 : i32
    %scan3A_23 = arith.addi %scan3A_21, %scan3A_22 : i32
    %scan3A_24 = arith.constant 1 : i32
    scf.for %scan3A_40 = %scan3A_21 to %scan3A_23 step %scan3A_24  : i32 {
      %mul3A_41 = arith.constant 32 : i32
      %mul3A_42 = arith.muli %scan3A_40, %mul3A_41 : i32
      %add3A_43 = arith.addi %add3A, %mul3A_42 : i32
      %jit3A = arith.constant 2 : i32
      %eq3A_44 = arith.constant 0 : i32
      %eq3A_45 = arith.cmpi eq, %jit3A, %eq3A_44 : i32
      %jit3A_46 = arith.constant 1 : i32
      %select_n3A = arith.select %eq3A_45, %jit3A_46, %jit3A : i32
      %rem3A = arith.remsi %scan3A_40, %select_n3A : i32
      %ne3A = arith.constant 0 : i32
      %ne3A_47 = arith.cmpi ne, %rem3A, %ne3A : i32
      %lt3A_48 = arith.constant 0 : i32
      %lt3A_49 = arith.cmpi slt, %rem3A, %lt3A_48 : i32
      %lt3A_50 = arith.constant 0 : i32
      %lt3A_51 = arith.cmpi slt, %select_n3A, %lt3A_50 : i32
      %ne3A_52 = arith.xori %lt3A_49, %lt3A_51 : i1
      %and3A = arith.andi %ne3A_52, %ne3A_47 : i1
      %add3A_53 = arith.addi %rem3A, %select_n3A : i32
      %select_n3A_54 = arith.select %and3A, %add3A_53, %rem3A : i32
      %eq3A_55 = arith.constant 0 : i32
      %eq3A_56 = arith.cmpi eq, %select_n3A_54, %eq3A_55 : i32
      %convert_element_type3A_57 = arith.extui %eq3A_56 : i1 to i32
      %cond3A_58 = arith.constant 0 : i32
      %cond3A_59 = arith.cmpi ne, %convert_element_type3A_57, %cond3A_58 : i32
      scf.if %cond3A_59 {
        %lt3A_81 = arith.constant 250 : i32
        %lt3A_82 = arith.cmpi slt, %add3A_43, %lt3A_81 : i32
        %convert_element_type3A_83 = arith.extui %lt3A_82 : i1 to i32
        %cond3A_84 = arith.constant 0 : i32
        %cond3A_85 = arith.cmpi ne, %convert_element_type3A_83, %cond3A_84 : i32
        scf.if %cond3A_85 {
          %mul3A_96 = arith.constant 400 : i32
          %mul3A_97 = arith.muli %add3A_43, %mul3A_96 : i32
          %dma_wait3A = tpu.memref_slice %arg3[%mul3A_97] : memref<100000xi32, #tpu.memory_space<hbm>> -> memref<400xi32, #tpu.memory_space<hbm>>
          %dma_wait3A_98 = tpu.memref_slice %arg3[%mul3A_97] : memref<100000xi32, #tpu.memory_space<hbm>> -> memref<400xi32, #tpu.memory_space<hbm>>
          tpu.wait_dma2 semaphore(%arg10 : memref<!tpu.dma_semaphore, #tpu.memory_space<semaphore_mem>>) src(%dma_wait3A_98 : memref<400xi32, #tpu.memory_space<hbm>>) dst(%arg5 : memref<400xi32, #tpu.memory_space<vmem>>)
          %ge3A = arith.constant 2 : i32
          %ge3A_99 = arith.cmpi sge, %scan3A_40, %ge3A : i32
          %convert_element_type3A_100 = arith.extui %ge3A_99 : i1 to i32
          %cond3A_101 = arith.constant 0 : i32
          %cond3A_102 = arith.cmpi ne, %convert_element_type3A_100, %cond3A_101 : i32
          scf.if %cond3A_102 {
            %dma_wait3A_158 = arith.constant 0 : i32
            %dma_wait3A_159 = tpu.memref_slice %arg4[%mul3A_97, %dma_wait3A_158] : memref<100000x128xf32, #tpu.memory_space<hbm>> -> memref<400x128xf32, #tpu.memory_space<hbm>>
            %dma_wait3A_160 = arith.constant 0 : i32
            %dma_wait3A_161 = tpu.memref_slice %arg4[%mul3A_97, %dma_wait3A_160] : memref<100000x128xf32, #tpu.memory_space<hbm>> -> memref<400x128xf32, #tpu.memory_space<hbm>>
            tpu.wait_dma2 semaphore(%arg14 : memref<!tpu.dma_semaphore, #tpu.memory_space<semaphore_mem>>) src(%arg7 : memref<400x128xf32, #tpu.memory_space<vmem>>) dst(%dma_wait3A_161 : memref<400x128xf32, #tpu.memory_space<hbm>>)
          } else {
          }
          %dma_start3A = arith.constant 0 : i32
          %dma_start3A_103 = arith.constant 0 : i32
          %dma_start3A_104 = tpu.memref_slice %arg7[%dma_start3A, %dma_start3A_103] : memref<400x128xf32, #tpu.memory_space<vmem>> -> memref<200x128xf32, #tpu.memory_space<vmem>>
          %dma_start3A_105 = arith.constant 0 : i32
          %dma_start3A_106 = tpu.memref_slice %arg5[%dma_start3A_105] : memref<400xi32, #tpu.memory_space<vmem>> -> memref<200xi32, #tpu.memory_space<vmem>>
          %dma_start3A_107 = arith.constant 0 : i32
          %dma_start3A_108 = arith.constant 0 : i32
          %dma_start3A_109 = tpu.memref_slice %arg9[%dma_start3A_107, %dma_start3A_108] : memref<84x128xf32, #tpu.memory_space<vmem_shared>> -> memref<84x128xf32, #tpu.memory_space<vmem_shared>>
          tpu.enqueue_indirect_dma source(%dma_start3A_109 : memref<84x128xf32, #tpu.memory_space<vmem_shared>>) target(%dma_start3A_104 : memref<200x128xf32, #tpu.memory_space<vmem>>) offsets(%dma_start3A_106 : memref<200xi32, #tpu.memory_space<vmem>>) semaphore(%arg12 : memref<!tpu.dma_semaphore, #tpu.memory_space<semaphore_mem>>)
          %dma_wait3A_110 = arith.constant 0 : i32
          %dma_wait3A_111 = arith.constant 0 : i32
          %dma_wait3A_112 = tpu.memref_slice %arg7[%dma_wait3A_110, %dma_wait3A_111] : memref<400x128xf32, #tpu.memory_space<vmem>> -> memref<200x128xf32, #tpu.memory_space<vmem>>
          %dma_wait3A_113 = arith.constant 0 : i32
          %dma_wait3A_114 = tpu.memref_slice %arg5[%dma_wait3A_113] : memref<400xi32, #tpu.memory_space<vmem>> -> memref<200xi32, #tpu.memory_space<vmem>>
          %dma_wait3A_115 = arith.constant 0 : i32
          %dma_wait3A_116 = arith.constant 0 : i32
          %dma_wait3A_117 = tpu.memref_slice %arg9[%dma_wait3A_115, %dma_wait3A_116] : memref<84x128xf32, #tpu.memory_space<vmem_shared>> -> memref<84x128xf32, #tpu.memory_space<vmem_shared>>
          tpu.wait_indirect_dma semaphore(%arg12 : memref<!tpu.dma_semaphore, #tpu.memory_space<semaphore_mem>>) src(%dma_wait3A_117 : memref<84x128xf32, #tpu.memory_space<vmem_shared>>) dst(%dma_wait3A_112 : memref<200x128xf32, #tpu.memory_space<vmem>>)
          %add3A_118 = arith.constant 0 : i32
          %add3A_119 = arith.addi %mul3A_97, %add3A_118 : i32
          %dma_start3A_120 = arith.constant 0 : i32
          %dma_start3A_121 = arith.constant 0 : i32
          %dma_start3A_122 = tpu.memref_slice %arg7[%dma_start3A_120, %dma_start3A_121] : memref<400x128xf32, #tpu.memory_space<vmem>> -> memref<200x128xf32, #tpu.memory_space<vmem>>
          %dma_start3A_123 = arith.constant 0 : i32
          %dma_start3A_124 = tpu.memref_slice %arg4[%add3A_119, %dma_start3A_123] : memref<100000x128xf32, #tpu.memory_space<hbm>> -> memref<200x128xf32, #tpu.memory_space<hbm>>
          %dma_start3A_125 = arith.constant 0 : i32
          %dma_start3A_126 = tpu.memref_slice %arg4[%add3A_119, %dma_start3A_125] : memref<100000x128xf32, #tpu.memory_space<hbm>> -> memref<200x128xf32, #tpu.memory_space<hbm>>
          %dma_start3A_127 = arith.constant 0 : i32
          %dma_start3A_128 = arith.constant 0 : i32
          %dma_start3A_129 = tpu.memref_slice %arg7[%dma_start3A_127, %dma_start3A_128] : memref<400x128xf32, #tpu.memory_space<vmem>> -> memref<200x128xf32, #tpu.memory_space<vmem>>
          tpu.enqueue_dma source(%dma_start3A_129 : memref<200x128xf32, #tpu.memory_space<vmem>>) target(%dma_start3A_126 : memref<200x128xf32, #tpu.memory_space<hbm>>) target_semaphore(%arg14 : memref<!tpu.dma_semaphore, #tpu.memory_space<semaphore_mem>>)
          %dma_start3A_130 = arith.constant 200 : i32
          %dma_start3A_131 = arith.constant 0 : i32
          %dma_start3A_132 = tpu.memref_slice %arg7[%dma_start3A_130, %dma_start3A_131] : memref<400x128xf32, #tpu.memory_space<vmem>> -> memref<200x128xf32, #tpu.memory_space<vmem>>
          %dma_start3A_133 = arith.constant 200 : i32
          %dma_start3A_134 = tpu.memref_slice %arg5[%dma_start3A_133] : memref<400xi32, #tpu.memory_space<vmem>> -> memref<200xi32, #tpu.memory_space<vmem>>
          %dma_start3A_135 = arith.constant 0 : i32
          %dma_start3A_136 = arith.constant 0 : i32
          %dma_start3A_137 = tpu.memref_slice %arg9[%dma_start3A_135, %dma_start3A_136] : memref<84x128xf32, #tpu.memory_space<vmem_shared>> -> memref<84x128xf32, #tpu.memory_space<vmem_shared>>
          tpu.enqueue_indirect_dma source(%dma_start3A_137 : memref<84x128xf32, #tpu.memory_space<vmem_shared>>) target(%dma_start3A_132 : memref<200x128xf32, #tpu.memory_space<vmem>>) offsets(%dma_start3A_134 : memref<200xi32, #tpu.memory_space<vmem>>) semaphore(%arg12 : memref<!tpu.dma_semaphore, #tpu.memory_space<semaphore_mem>>)
          %dma_wait3A_138 = arith.constant 200 : i32
          %dma_wait3A_139 = arith.constant 0 : i32
          %dma_wait3A_140 = tpu.memref_slice %arg7[%dma_wait3A_138, %dma_wait3A_139] : memref<400x128xf32, #tpu.memory_space<vmem>> -> memref<200x128xf32, #tpu.memory_space<vmem>>
          %dma_wait3A_141 = arith.constant 200 : i32
          %dma_wait3A_142 = tpu.memref_slice %arg5[%dma_wait3A_141] : memref<400xi32, #tpu.memory_space<vmem>> -> memref<200xi32, #tpu.memory_space<vmem>>
          %dma_wait3A_143 = arith.constant 0 : i32
          %dma_wait3A_144 = arith.constant 0 : i32
          %dma_wait3A_145 = tpu.memref_slice %arg9[%dma_wait3A_143, %dma_wait3A_144] : memref<84x128xf32, #tpu.memory_space<vmem_shared>> -> memref<84x128xf32, #tpu.memory_space<vmem_shared>>
          tpu.wait_indirect_dma semaphore(%arg12 : memref<!tpu.dma_semaphore, #tpu.memory_space<semaphore_mem>>) src(%dma_wait3A_145 : memref<84x128xf32, #tpu.memory_space<vmem_shared>>) dst(%dma_wait3A_140 : memref<200x128xf32, #tpu.memory_space<vmem>>)
          %add3A_146 = arith.constant 200 : i32
          %add3A_147 = arith.addi %mul3A_97, %add3A_146 : i32
          %dma_start3A_148 = arith.constant 200 : i32
          %dma_start3A_149 = arith.constant 0 : i32
          %dma_start3A_150 = tpu.memref_slice %arg7[%dma_start3A_148, %dma_start3A_149] : memref<400x128xf32, #tpu.memory_space<vmem>> -> memref<200x128xf32, #tpu.memory_space<vmem>>
          %dma_start3A_151 = arith.constant 0 : i32
          %dma_start3A_152 = tpu.memref_slice %arg4[%add3A_147, %dma_start3A_151] : memref<100000x128xf32, #tpu.memory_space<hbm>> -> memref<200x128xf32, #tpu.memory_space<hbm>>
          %dma_start3A_153 = arith.constant 0 : i32
          %dma_start3A_154 = tpu.memref_slice %arg4[%add3A_147, %dma_start3A_153] : memref<100000x128xf32, #tpu.memory_space<hbm>> -> memref<200x128xf32, #tpu.memory_space<hbm>>
          %dma_start3A_155 = arith.constant 200 : i32
          %dma_start3A_156 = arith.constant 0 : i32
          %dma_start3A_157 = tpu.memref_slice %arg7[%dma_start3A_155, %dma_start3A_156] : memref<400x128xf32, #tpu.memory_space<vmem>> -> memref<200x128xf32, #tpu.memory_space<vmem>>
          tpu.enqueue_dma source(%dma_start3A_157 : memref<200x128xf32, #tpu.memory_space<vmem>>) target(%dma_start3A_154 : memref<200x128xf32, #tpu.memory_space<hbm>>) target_semaphore(%arg14 : memref<!tpu.dma_semaphore, #tpu.memory_space<semaphore_mem>>)
        } else {
        }
        %add3A_86 = arith.constant 2 : i32
        %add3A_87 = arith.addi %scan3A_40, %add3A_86 : i32
        %mul3A_88 = arith.constant 32 : i32
        %mul3A_89 = arith.muli %add3A_87, %mul3A_88 : i32
        %add3A_90 = arith.addi %add3A, %mul3A_89 : i32
        %lt3A_91 = arith.constant 250 : i32
        %lt3A_92 = arith.cmpi slt, %add3A_90, %lt3A_91 : i32
        %convert_element_type3A_93 = arith.extui %lt3A_92 : i1 to i32
        %cond3A_94 = arith.constant 0 : i32
        %cond3A_95 = arith.cmpi ne, %convert_element_type3A_93, %cond3A_94 : i32
        scf.if %cond3A_95 {
          %mul3A_96 = arith.constant 400 : i32
          %mul3A_97 = arith.muli %add3A_90, %mul3A_96 : i32
          %dma_start3A = tpu.memref_slice %arg3[%mul3A_97] : memref<100000xi32, #tpu.memory_space<hbm>> -> memref<400xi32, #tpu.memory_space<hbm>>
          %dma_start3A_98 = tpu.memref_slice %arg3[%mul3A_97] : memref<100000xi32, #tpu.memory_space<hbm>> -> memref<400xi32, #tpu.memory_space<hbm>>
          tpu.enqueue_dma source(%dma_start3A_98 : memref<400xi32, #tpu.memory_space<hbm>>) target(%arg5 : memref<400xi32, #tpu.memory_space<vmem>>) target_semaphore(%arg10 : memref<!tpu.dma_semaphore, #tpu.memory_space<semaphore_mem>>)
        } else {
        }
      } else {
      }
      %jit3A_60 = arith.constant 2 : i32
      %eq3A_61 = arith.constant 0 : i32
      %eq3A_62 = arith.cmpi eq, %jit3A_60, %eq3A_61 : i32
      %jit3A_63 = arith.constant 1 : i32
      %select_n3A_64 = arith.select %eq3A_62, %jit3A_63, %jit3A_60 : i32
      %rem3A_65 = arith.remsi %scan3A_40, %select_n3A_64 : i32
      %ne3A_66 = arith.constant 0 : i32
      %ne3A_67 = arith.cmpi ne, %rem3A_65, %ne3A_66 : i32
      %lt3A_68 = arith.constant 0 : i32
      %lt3A_69 = arith.cmpi slt, %rem3A_65, %lt3A_68 : i32
      %lt3A_70 = arith.constant 0 : i32
      %lt3A_71 = arith.cmpi slt, %select_n3A_64, %lt3A_70 : i32
      %ne3A_72 = arith.xori %lt3A_69, %lt3A_71 : i1
      %and3A_73 = arith.andi %ne3A_72, %ne3A_67 : i1
      %add3A_74 = arith.addi %rem3A_65, %select_n3A_64 : i32
      %select_n3A_75 = arith.select %and3A_73, %add3A_74, %rem3A_65 : i32
      %eq3A_76 = arith.constant 1 : i32
      %eq3A_77 = arith.cmpi eq, %select_n3A_75, %eq3A_76 : i32
      %convert_element_type3A_78 = arith.extui %eq3A_77 : i1 to i32
      %cond3A_79 = arith.constant 0 : i32
      %cond3A_80 = arith.cmpi ne, %convert_element_type3A_78, %cond3A_79 : i32
      scf.if %cond3A_80 {
        %lt3A_81 = arith.constant 250 : i32
        %lt3A_82 = arith.cmpi slt, %add3A_43, %lt3A_81 : i32
        %convert_element_type3A_83 = arith.extui %lt3A_82 : i1 to i32
        %cond3A_84 = arith.constant 0 : i32
        %cond3A_85 = arith.cmpi ne, %convert_element_type3A_83, %cond3A_84 : i32
        scf.if %cond3A_85 {
          %mul3A_96 = arith.constant 400 : i32
          %mul3A_97 = arith.muli %add3A_43, %mul3A_96 : i32
          %dma_wait3A = tpu.memref_slice %arg3[%mul3A_97] : memref<100000xi32, #tpu.memory_space<hbm>> -> memref<400xi32, #tpu.memory_space<hbm>>
          %dma_wait3A_98 = tpu.memref_slice %arg3[%mul3A_97] : memref<100000xi32, #tpu.memory_space<hbm>> -> memref<400xi32, #tpu.memory_space<hbm>>
          tpu.wait_dma2 semaphore(%arg11 : memref<!tpu.dma_semaphore, #tpu.memory_space<semaphore_mem>>) src(%dma_wait3A_98 : memref<400xi32, #tpu.memory_space<hbm>>) dst(%arg6 : memref<400xi32, #tpu.memory_space<vmem>>)
          %ge3A = arith.constant 2 : i32
          %ge3A_99 = arith.cmpi sge, %scan3A_40, %ge3A : i32
          %convert_element_type3A_100 = arith.extui %ge3A_99 : i1 to i32
          %cond3A_101 = arith.constant 0 : i32
          %cond3A_102 = arith.cmpi ne, %convert_element_type3A_100, %cond3A_101 : i32
          scf.if %cond3A_102 {
            %dma_wait3A_158 = arith.constant 0 : i32
            %dma_wait3A_159 = tpu.memref_slice %arg4[%mul3A_97, %dma_wait3A_158] : memref<100000x128xf32, #tpu.memory_space<hbm>> -> memref<400x128xf32, #tpu.memory_space<hbm>>
            %dma_wait3A_160 = arith.constant 0 : i32
            %dma_wait3A_161 = tpu.memref_slice %arg4[%mul3A_97, %dma_wait3A_160] : memref<100000x128xf32, #tpu.memory_space<hbm>> -> memref<400x128xf32, #tpu.memory_space<hbm>>
            tpu.wait_dma2 semaphore(%arg15 : memref<!tpu.dma_semaphore, #tpu.memory_space<semaphore_mem>>) src(%arg8 : memref<400x128xf32, #tpu.memory_space<vmem>>) dst(%dma_wait3A_161 : memref<400x128xf32, #tpu.memory_space<hbm>>)
          } else {
          }
          %dma_start3A = arith.constant 0 : i32
          %dma_start3A_103 = arith.constant 0 : i32
          %dma_start3A_104 = tpu.memref_slice %arg8[%dma_start3A, %dma_start3A_103] : memref<400x128xf32, #tpu.memory_space<vmem>> -> memref<200x128xf32, #tpu.memory_space<vmem>>
          %dma_start3A_105 = arith.constant 0 : i32
          %dma_start3A_106 = tpu.memref_slice %arg6[%dma_start3A_105] : memref<400xi32, #tpu.memory_space<vmem>> -> memref<200xi32, #tpu.memory_space<vmem>>
          %dma_start3A_107 = arith.constant 0 : i32
          %dma_start3A_108 = arith.constant 0 : i32
          %dma_start3A_109 = tpu.memref_slice %arg9[%dma_start3A_107, %dma_start3A_108] : memref<84x128xf32, #tpu.memory_space<vmem_shared>> -> memref<84x128xf32, #tpu.memory_space<vmem_shared>>
          tpu.enqueue_indirect_dma source(%dma_start3A_109 : memref<84x128xf32, #tpu.memory_space<vmem_shared>>) target(%dma_start3A_104 : memref<200x128xf32, #tpu.memory_space<vmem>>) offsets(%dma_start3A_106 : memref<200xi32, #tpu.memory_space<vmem>>) semaphore(%arg13 : memref<!tpu.dma_semaphore, #tpu.memory_space<semaphore_mem>>)
          %dma_wait3A_110 = arith.constant 0 : i32
          %dma_wait3A_111 = arith.constant 0 : i32
          %dma_wait3A_112 = tpu.memref_slice %arg8[%dma_wait3A_110, %dma_wait3A_111] : memref<400x128xf32, #tpu.memory_space<vmem>> -> memref<200x128xf32, #tpu.memory_space<vmem>>
          %dma_wait3A_113 = arith.constant 0 : i32
          %dma_wait3A_114 = tpu.memref_slice %arg6[%dma_wait3A_113] : memref<400xi32, #tpu.memory_space<vmem>> -> memref<200xi32, #tpu.memory_space<vmem>>
          %dma_wait3A_115 = arith.constant 0 : i32
          %dma_wait3A_116 = arith.constant 0 : i32
          %dma_wait3A_117 = tpu.memref_slice %arg9[%dma_wait3A_115, %dma_wait3A_116] : memref<84x128xf32, #tpu.memory_space<vmem_shared>> -> memref<84x128xf32, #tpu.memory_space<vmem_shared>>
          tpu.wait_indirect_dma semaphore(%arg13 : memref<!tpu.dma_semaphore, #tpu.memory_space<semaphore_mem>>) src(%dma_wait3A_117 : memref<84x128xf32, #tpu.memory_space<vmem_shared>>) dst(%dma_wait3A_112 : memref<200x128xf32, #tpu.memory_space<vmem>>)
          %add3A_118 = arith.constant 0 : i32
          %add3A_119 = arith.addi %mul3A_97, %add3A_118 : i32
          %dma_start3A_120 = arith.constant 0 : i32
          %dma_start3A_121 = arith.constant 0 : i32
          %dma_start3A_122 = tpu.memref_slice %arg8[%dma_start3A_120, %dma_start3A_121] : memref<400x128xf32, #tpu.memory_space<vmem>> -> memref<200x128xf32, #tpu.memory_space<vmem>>
          %dma_start3A_123 = arith.constant 0 : i32
          %dma_start3A_124 = tpu.memref_slice %arg4[%add3A_119, %dma_start3A_123] : memref<100000x128xf32, #tpu.memory_space<hbm>> -> memref<200x128xf32, #tpu.memory_space<hbm>>
          %dma_start3A_125 = arith.constant 0 : i32
          %dma_start3A_126 = tpu.memref_slice %arg4[%add3A_119, %dma_start3A_125] : memref<100000x128xf32, #tpu.memory_space<hbm>> -> memref<200x128xf32, #tpu.memory_space<hbm>>
          %dma_start3A_127 = arith.constant 0 : i32
          %dma_start3A_128 = arith.constant 0 : i32
          %dma_start3A_129 = tpu.memref_slice %arg8[%dma_start3A_127, %dma_start3A_128] : memref<400x128xf32, #tpu.memory_space<vmem>> -> memref<200x128xf32, #tpu.memory_space<vmem>>
          tpu.enqueue_dma source(%dma_start3A_129 : memref<200x128xf32, #tpu.memory_space<vmem>>) target(%dma_start3A_126 : memref<200x128xf32, #tpu.memory_space<hbm>>) target_semaphore(%arg15 : memref<!tpu.dma_semaphore, #tpu.memory_space<semaphore_mem>>)
          %dma_start3A_130 = arith.constant 200 : i32
          %dma_start3A_131 = arith.constant 0 : i32
          %dma_start3A_132 = tpu.memref_slice %arg8[%dma_start3A_130, %dma_start3A_131] : memref<400x128xf32, #tpu.memory_space<vmem>> -> memref<200x128xf32, #tpu.memory_space<vmem>>
          %dma_start3A_133 = arith.constant 200 : i32
          %dma_start3A_134 = tpu.memref_slice %arg6[%dma_start3A_133] : memref<400xi32, #tpu.memory_space<vmem>> -> memref<200xi32, #tpu.memory_space<vmem>>
          %dma_start3A_135 = arith.constant 0 : i32
          %dma_start3A_136 = arith.constant 0 : i32
          %dma_start3A_137 = tpu.memref_slice %arg9[%dma_start3A_135, %dma_start3A_136] : memref<84x128xf32, #tpu.memory_space<vmem_shared>> -> memref<84x128xf32, #tpu.memory_space<vmem_shared>>
          tpu.enqueue_indirect_dma source(%dma_start3A_137 : memref<84x128xf32, #tpu.memory_space<vmem_shared>>) target(%dma_start3A_132 : memref<200x128xf32, #tpu.memory_space<vmem>>) offsets(%dma_start3A_134 : memref<200xi32, #tpu.memory_space<vmem>>) semaphore(%arg13 : memref<!tpu.dma_semaphore, #tpu.memory_space<semaphore_mem>>)
          %dma_wait3A_138 = arith.constant 200 : i32
          %dma_wait3A_139 = arith.constant 0 : i32
          %dma_wait3A_140 = tpu.memref_slice %arg8[%dma_wait3A_138, %dma_wait3A_139] : memref<400x128xf32, #tpu.memory_space<vmem>> -> memref<200x128xf32, #tpu.memory_space<vmem>>
          %dma_wait3A_141 = arith.constant 200 : i32
          %dma_wait3A_142 = tpu.memref_slice %arg6[%dma_wait3A_141] : memref<400xi32, #tpu.memory_space<vmem>> -> memref<200xi32, #tpu.memory_space<vmem>>
          %dma_wait3A_143 = arith.constant 0 : i32
          %dma_wait3A_144 = arith.constant 0 : i32
          %dma_wait3A_145 = tpu.memref_slice %arg9[%dma_wait3A_143, %dma_wait3A_144] : memref<84x128xf32, #tpu.memory_space<vmem_shared>> -> memref<84x128xf32, #tpu.memory_space<vmem_shared>>
          tpu.wait_indirect_dma semaphore(%arg13 : memref<!tpu.dma_semaphore, #tpu.memory_space<semaphore_mem>>) src(%dma_wait3A_145 : memref<84x128xf32, #tpu.memory_space<vmem_shared>>) dst(%dma_wait3A_140 : memref<200x128xf32, #tpu.memory_space<vmem>>)
          %add3A_146 = arith.constant 200 : i32
          %add3A_147 = arith.addi %mul3A_97, %add3A_146 : i32
          %dma_start3A_148 = arith.constant 200 : i32
          %dma_start3A_149 = arith.constant 0 : i32
          %dma_start3A_150 = tpu.memref_slice %arg8[%dma_start3A_148, %dma_start3A_149] : memref<400x128xf32, #tpu.memory_space<vmem>> -> memref<200x128xf32, #tpu.memory_space<vmem>>
          %dma_start3A_151 = arith.constant 0 : i32
          %dma_start3A_152 = tpu.memref_slice %arg4[%add3A_147, %dma_start3A_151] : memref<100000x128xf32, #tpu.memory_space<hbm>> -> memref<200x128xf32, #tpu.memory_space<hbm>>
          %dma_start3A_153 = arith.constant 0 : i32
          %dma_start3A_154 = tpu.memref_slice %arg4[%add3A_147, %dma_start3A_153] : memref<100000x128xf32, #tpu.memory_space<hbm>> -> memref<200x128xf32, #tpu.memory_space<hbm>>
          %dma_start3A_155 = arith.constant 200 : i32
          %dma_start3A_156 = arith.constant 0 : i32
          %dma_start3A_157 = tpu.memref_slice %arg8[%dma_start3A_155, %dma_start3A_156] : memref<400x128xf32, #tpu.memory_space<vmem>> -> memref<200x128xf32, #tpu.memory_space<vmem>>
          tpu.enqueue_dma source(%dma_start3A_157 : memref<200x128xf32, #tpu.memory_space<vmem>>) target(%dma_start3A_154 : memref<200x128xf32, #tpu.memory_space<hbm>>) target_semaphore(%arg15 : memref<!tpu.dma_semaphore, #tpu.memory_space<semaphore_mem>>)
        } else {
        }
        %add3A_86 = arith.constant 2 : i32
        %add3A_87 = arith.addi %scan3A_40, %add3A_86 : i32
        %mul3A_88 = arith.constant 32 : i32
        %mul3A_89 = arith.muli %add3A_87, %mul3A_88 : i32
        %add3A_90 = arith.addi %add3A, %mul3A_89 : i32
        %lt3A_91 = arith.constant 250 : i32
        %lt3A_92 = arith.cmpi slt, %add3A_90, %lt3A_91 : i32
        %convert_element_type3A_93 = arith.extui %lt3A_92 : i1 to i32
        %cond3A_94 = arith.constant 0 : i32
        %cond3A_95 = arith.cmpi ne, %convert_element_type3A_93, %cond3A_94 : i32
        scf.if %cond3A_95 {
          %mul3A_96 = arith.constant 400 : i32
          %mul3A_97 = arith.muli %add3A_90, %mul3A_96 : i32
          %dma_start3A = tpu.memref_slice %arg3[%mul3A_97] : memref<100000xi32, #tpu.memory_space<hbm>> -> memref<400xi32, #tpu.memory_space<hbm>>
          %dma_start3A_98 = tpu.memref_slice %arg3[%mul3A_97] : memref<100000xi32, #tpu.memory_space<hbm>> -> memref<400xi32, #tpu.memory_space<hbm>>
          tpu.enqueue_dma source(%dma_start3A_98 : memref<400xi32, #tpu.memory_space<hbm>>) target(%arg6 : memref<400xi32, #tpu.memory_space<vmem>>) target_semaphore(%arg11 : memref<!tpu.dma_semaphore, #tpu.memory_space<semaphore_mem>>)
        } else {
        }
      } else {
      }
    }
    %scan3A_25 = arith.constant 8 : i32
    %add3A_26 = arith.constant 192 : i32
    %add3A_27 = arith.addi %add3A, %add3A_26 : i32
    %lt3A_28 = arith.constant 250 : i32
    %lt3A_29 = arith.cmpi slt, %add3A_27, %lt3A_28 : i32
    %convert_element_type3A_30 = arith.extui %lt3A_29 : i1 to i32
    %cond3A_31 = arith.constant 0 : i32
    %cond3A_32 = arith.cmpi ne, %convert_element_type3A_30, %cond3A_31 : i32
    scf.if %cond3A_32 {
      %mul3A_40 = arith.constant 400 : i32
      %mul3A_41 = arith.muli %add3A_27, %mul3A_40 : i32
      %dma_wait3A = arith.constant 0 : i32
      %dma_wait3A_42 = tpu.memref_slice %arg4[%mul3A_41, %dma_wait3A] : memref<100000x128xf32, #tpu.memory_space<hbm>> -> memref<400x128xf32, #tpu.memory_space<hbm>>
      %dma_wait3A_43 = arith.constant 0 : i32
      %dma_wait3A_44 = tpu.memref_slice %arg4[%mul3A_41, %dma_wait3A_43] : memref<100000x128xf32, #tpu.memory_space<hbm>> -> memref<400x128xf32, #tpu.memory_space<hbm>>
      tpu.wait_dma2 semaphore(%arg14 : memref<!tpu.dma_semaphore, #tpu.memory_space<semaphore_mem>>) src(%arg7 : memref<400x128xf32, #tpu.memory_space<vmem>>) dst(%dma_wait3A_44 : memref<400x128xf32, #tpu.memory_space<hbm>>)
    } else {
    }
    %add3A_33 = arith.constant 224 : i32
    %add3A_34 = arith.addi %add3A, %add3A_33 : i32
    %lt3A_35 = arith.constant 250 : i32
    %lt3A_36 = arith.cmpi slt, %add3A_34, %lt3A_35 : i32
    %convert_element_type3A_37 = arith.extui %lt3A_36 : i1 to i32
    %cond3A_38 = arith.constant 0 : i32
    %cond3A_39 = arith.cmpi ne, %convert_element_type3A_37, %cond3A_38 : i32
    scf.if %cond3A_39 {
      %mul3A_40 = arith.constant 400 : i32
      %mul3A_41 = arith.muli %add3A_34, %mul3A_40 : i32
      %dma_wait3A = arith.constant 0 : i32
      %dma_wait3A_42 = tpu.memref_slice %arg4[%mul3A_41, %dma_wait3A] : memref<100000x128xf32, #tpu.memory_space<hbm>> -> memref<400x128xf32, #tpu.memory_space<hbm>>
      %dma_wait3A_43 = arith.constant 0 : i32
      %dma_wait3A_44 = tpu.memref_slice %arg4[%mul3A_41, %dma_wait3A_43] : memref<100000x128xf32, #tpu.memory_space<hbm>> -> memref<400x128xf32, #tpu.memory_space<hbm>>
      tpu.wait_dma2 semaphore(%arg15 : memref<!tpu.dma_semaphore, #tpu.memory_space<semaphore_mem>>) src(%arg8 : memref<400x128xf32, #tpu.memory_space<vmem>>) dst(%dma_wait3A_44 : memref<400x128xf32, #tpu.memory_space<hbm>>)
    } else {
    }
    return
  }
}

</mosaic_0001>

<sc_bundles>
// kernel: kernel.3.cloned.1.call-start
scs
__scs_entry_jumppad:
0x0: {  	(pc) =	sbr.rel $0x88, $3  }
0x1: {  	(tag) =	ssettag $0x0;
	lr =	simm.s32 $0x1  }
0x2: {  	[smem:$0x3F9F] =	sst lr;
	_ =	strace $0xD0000000  }
0x3: {  	_ = 	snop  }
0x4: {  	_ = 	snop  }
0x5: {  	_ = 	snop  }
0x6: {  	_ = 	snop  }
0x7: {  	_ = 	snop  }
__scs_overlays_trampoline_lowered:
0x8: {  	[smem:$0x3FAE] =	sst s0  }
0x9: {  	[smem:$0x3FAF] =	sst s1  }
0xa: {  	[smem:$0x3FB0] =	sst s2  }
0xb: {  	[smem:$0x3FB1] =	sst s3  }
0xc: {  	[smem:$0x3FB2] =	sst s4  }
0xd: {  	[smem:$0x3FB3] =	sst s5  }
0xe: {  	[smem:$0x3FB4] =	sst s6  }
0xf: {  	[smem:$0x3FB5] =	sst s7  }
0x10: {  	[smem:$0x3FB6] =	sst s8  }
0x11: {  	[smem:$0x3FB7] =	sst s9;
	s0 =	simm.s32 @!p0 $0x0  }
0x12: {  	s1 =	sld [smem:$0x3F9D];
	s0 =	simm.s32 @p0 $0x1  }
0x13: {  	[smem:$0x3FB8] =	sst s0;
	s0 =	simm.s32 @!p1 $0x0  }
0x14: {  	s2 =	sld [smem:$0x3F9C];
	s0 =	simm.s32 @p1 $0x1  }
0x15: {  	[smem:$0x3FB9] =	sst s0;
	s0 =	simm.s32 @!p2 $0x0  }
0x16: {  	s3 =	sld [smem:$0x3FDB];
	s0 =	simm.s32 @p2 $0x1  }
0x17: {  	s4 =	simm.s32 $0x1BF5;
	[smem:$0x3FBB] =	sst s0  }
0x18: {  	s0 =	sld [smem:$0x3F9E];
	_ =	swait.ge [sflag:s4], $0x0  }
0x19: {  	s7 =	sld [smem:$0x3F9F]  }
0x1a: {  	s8 =	sadd.s32 $0xFFFFE003, lr  }
0x1b: {  	s9 =	sadd.s32 $0xFFFFFEF7, lr;
	s5 =	simm.s32 $0xFFFFFFFF;
	p2 =	slt.u32 s8, $0xFFFFF086  }
0x1c: {  	p1 =	slt.u32 s9, $0xF7A;
	s5 =	simm.s32 @!p2 $0x0  }
0x1d: {  	s5 =	simm.s32 @p1 $0x1;
	p0 =	seq.s32 s7, s2  }
0x1e: {  	s7 =	smul.u32 @!p0 $0xF7A, s2;
	p2 =	seq.s32 @!p0 s5, $0x0  }
0x1f: {  	s9 =	smul.u32 $0xF7A, s1;
	s8 =	simm.s32 @!p0 $0x1BF5;
	p2 =	por !p2, p0  }
0x20: {  	[sflag:s8] =	ssyncset.s32 @!p0 $0xFFFFF086;
	s6 =	sadd.s32 @!p0 s3, s7;
	s7 =	simm.s32 @!p0 $0x108  }
0x21: {  	s3 =	sadd.s32 s3, s9;
	s6 =	sadd.s32 @!p0 $0x88, s6;
	s7 =	simm.s32 @p2 $0x1082  }
0x22: {  	[simem:s7], [sflag:s8] =	dma.local @!p0 [hbm:s6], $0xF7A  }
0x23: {  	s9 =	sor.u32 $0xD0000000, s2;
	s6 =	simm.s32 $0x108;
	_ =	swait.ge @!p0 [sflag:s8], $0x0  }
0x24: {  	s3 =	sadd.s32 $0x88, s3;
	s6 =	simm.s32 @!p1 $0x1082;
	[sflag:s4] =	ssyncset.s32 $0xFFFFF086  }
0x25: {  	[simem:s6], [sflag:s4] =	dma.local [hbm:s3], $0xF7A  }
0x26: {  	[smem:$0x3F9F] =	sst s1;
	(tag) =	ssettag s2;
	_ =	strace s9  }
0x27: {  	s1 =	sld [smem:$0x3FAF]  }
0x28: {  	s2 =	sld [smem:$0x3FB0]  }
0x29: {  	s4 =	sld [smem:$0x3FB2]  }
0x2a: {  	p0 =	seq.s32 s5, $0x0;
	s5 =	sld [smem:$0x3FB3]  }
0x2b: {  	s6 =	sld [smem:$0x3FB4]  }
0x2c: {  	s7 =	sld [smem:$0x3FB5]  }
0x2d: {  	s3 =	simm.s32 $0x108;
	s8 =	sld [smem:$0x3FB6]  }
0x2e: {  	s3 =	simm.s32 @!p0 $0x1082;
	s9 =	sld [smem:$0x3FB7]  }
0x2f: {  	lr =	sadd.s32 s0, s3;
	s0 =	sld [smem:$0x3FAE]  }
0x30: {  	s3 =	sld [smem:$0x3FB1]  }
0x31: {  	[smem:$0x3FBA] =	sst s10  }
0x32: {  	s10 =	sld [smem:$0x3FB8];
	_ =	sdelay $0x3  }
0x33: {  	p0 =	seq.s32 s10, $0x1;
	s10 =	sld [smem:$0x3FBA];
	_ =	sdelay $0x3  }
0x34: {  	[smem:$0x3FBA] =	sst s10  }
0x35: {  	s10 =	sld [smem:$0x3FB9];
	_ =	sdelay $0x3  }
0x36: {  	p1 =	seq.s32 s10, $0x1;
	s10 =	sld [smem:$0x3FBA];
	_ =	sdelay $0x3  }
0x37: {  	[smem:$0x3FBA] =	sst s10  }
0x38: {  	s10 =	sld [smem:$0x3FBB]  }
0x39: {  	_ = 	snop;
	(pc) =	sbr.ind lr, $3  }
0x3a: {  	_ = 	snop  }
0x3b: {  	_ = 	snop  }
0x3c: {  	p2 =	seq.s32 s10, $0x1;
	s10 =	sld [smem:$0x3FBA]  }
0x3d: {  	_ =	shalt  }
0x3e: {  	_ =	shalt  }
0x3f: {  	_ =	shalt  }
0x40: {  	_ =	shalt  }
0x41: {  	_ =	shalt  }
0x42: {  	_ =	shalt  }
0x43: {  	_ =	shalt  }
0x44: {  	_ =	shalt  }
0x45: {  	_ =	shalt  }
0x46: {  	_ =	shalt  }
0x47: {  	_ =	shalt  }
0x48: {  	_ =	shalt  }
0x49: {  	_ =	shalt  }
0x4a: {  	_ =	shalt  }
0x4b: {  	_ =	shalt  }
0x4c: {  	_ =	shalt  }
0x4d: {  	_ =	shalt  }
0x4e: {  	_ =	shalt  }
0x4f: {  	_ =	shalt  }
0x50: {  	_ =	shalt  }
0x51: {  	_ =	shalt  }
0x52: {  	_ =	shalt  }
0x53: {  	_ =	shalt  }
0x54: {  	_ =	shalt  }
0x55: {  	_ =	shalt  }
0x56: {  	_ =	shalt  }
0x57: {  	_ =	shalt  }
0x58: {  	_ =	shalt  }
0x59: {  	_ =	shalt  }
0x5a: {  	_ =	shalt  }
0x5b: {  	_ =	shalt  }
0x5c: {  	_ =	shalt  }
0x5d: {  	_ =	shalt  }
0x5e: {  	_ =	shalt  }
0x5f: {  	_ =	shalt  }
0x60: {  	_ =	shalt  }
0x61: {  	_ =	shalt  }
0x62: {  	_ =	shalt  }
0x63: {  	_ =	shalt  }
0x64: {  	_ =	shalt  }
0x65: {  	_ =	shalt  }
0x66: {  	_ =	shalt  }
0x67: {  	_ =	shalt  }
0x68: {  	_ =	shalt  }
0x69: {  	_ =	shalt  }
0x6a: {  	_ =	shalt  }
0x6b: {  	_ =	shalt  }
0x6c: {  	_ =	shalt  }
0x6d: {  	_ =	shalt  }
0x6e: {  	_ =	shalt  }
0x6f: {  	_ =	shalt  }
0x70: {  	_ =	shalt  }
0x71: {  	_ =	shalt  }
0x72: {  	_ =	shalt  }
0x73: {  	_ =	shalt  }
0x74: {  	_ =	shalt  }
0x75: {  	_ =	shalt  }
0x76: {  	_ =	shalt  }
0x77: {  	_ =	shalt  }
0x78: {  	_ =	shalt  }
0x79: {  	_ =	shalt  }
0x7a: {  	_ =	shalt  }
0x7b: {  	_ =	shalt  }
0x7c: {  	_ =	shalt  }
0x7d: {  	_ =	shalt  }
0x7e: {  	_ =	shalt  }
0x7f: {  	_ =	shalt  }
0x80: {  	_ =	shalt  }
0x81: {  	_ =	shalt  }
0x82: {  	_ =	shalt  }
0x83: {  	_ =	shalt  }
0x84: {  	_ =	shalt  }
0x85: {  	_ =	shalt  }
0x86: {  	_ =	shalt  }
0x87: {  	_ =	shalt  }
.Lfunc_end0:
.L_simem_size_0:
called_computation_lowered:
.L_overlay_start_0:
0x88: {  	s2 =	sld [smem:$0x3FD9]  }
0x89: {  	s3 =	sld [smem:$0x3FFE];
	_ =	sdelay $0x1  }
0x8a: {  	s1 =	srdreg.scid  }
0x8b: {  	s0 =	sand.u32 $0x1, s1  }
0x8c: {  	s18 =	sshll.u32 s0, $0xA;
	s2 =	sadd.s32 s3, s2  }
0x8d: {  	s2 =	sadd.s32 s2, s18  }
0x8e: {  	[smem:$0x3FC6] =	sst s2  }
0x8f: {  	_ = 	snop  }
0x90: {  	s2 =	sld [smem:$0x3FC9]  }
0x91: {  	s19 =	sld [smem:$0x3FC8]  }
0x92: {  	s4 =	sld [smem:$0x3FD0];
	(tm) =	ssettm $0x1  }
0x93: {  	s5 =	sld [smem:$0x3FFB];
	_ =	sdelay $0x3  }
0x94: {  	_ =	strace s5  }
0x95: {  	s5 =	sld [smem:$0x3FFC];
	_ =	sdelay $0x3  }
0x96: {  	_ =	strace s5  }
0x97: {  	s5 =	sld [smem:$0x3FFD];
	_ =	sdelay $0x3  }
0x98: {  	_ =	strace s5  }
0x99: {  	_ =	strace $0x8FFFFFFF  }
0x9a: {  	s20 =	sld [smem:$0x3FDB];
	_ =	sdelay $0x1  }
0x9b: {  	s6 =	simm.s32 $_scs_section_size  }
0x9c: {  	s7 =	simm.s32 $_size__tile_overlayer_lowered;
	s8 =	simm.s32 $_tile_overlayer_lowered  }
0x9d: {  	s23 =	simm.s32 $0x1BFF;
	s22 =	sshll.u32 s8, $0x1;
	s5 =	sadd.s32 s6, s20  }
0x9e: {  	s9 =	simm.s32 $0x0;
	s21 =	sshll.u32 s7, $0x1;
	s7 =	sadd.s32 s22, s5  }
0x9f: {  	[timem:s9], [sflag:s23] =	dma.local [hbm:s7], s21  }
0xa0: {  	_ =	swait.ge [sflag:s23], s21  }
0xa1: {  	s6 =	ssub.s32 $0x0, s21;
	[sflag:s23] =	ssyncset.done $0x0  }
0xa2: {  	[sflag:s23] =	ssyncadd.s32 s6;
	_ =	sdelay $0x1  }
0xa3: {  	s24 =	simm.s32 $0x1B8B  }
0xa4: {  	_ =	swait.ge [sflag:s24], $0x1  }
0xa5: {  	[sflag:s24] =	ssyncset.done $0x0  }
0xa6: {  	s25 =	simm.s32 $0x1B8E;
	[sflag:s24] =	ssyncadd.s32 $0xFFFFFFFF  }
0xa7: {  	s26 =	simm.s32 $execute0_lowered;
	[smem:$0x3FD2] =	sst s25  }
0xa8: {  	s6 =	sshll.u32 s26, $0x1;
	_ =	strace $0x80000046;
	[dreg:$0x1] =	wrdreg $0xFFFFFFFF  }
0xa9: {  	s28 =	simm.s32 $_size_execute0_lowered;
	s5 =	sadd.s32 s5, s6;
	[dreg:$0x0] =	wrdreg $0x0  }
0xaa: {  	s6 =	sshll.u32 s28, $0x1;
	[dreg:$0x2] =	wrdreg s5  }
0xab: {  	[dreg:$0x3] =	wrdreg s6  }
0xac: {  	[dreg:$0x4] =	wrdreg $0xC0  }
0xad: {  	_ =	task [dreg:s9], $0x5FFFF  }
0xae: {  	[dreg:$0x1] =	wrdreg $0xFFFFFFFF  }
0xaf: {  	[dreg:$0x0] =	wrdreg $0x60  }
0xb0: {  	[dreg:$0x2] =	wrdreg s19  }
0xb1: {  	[dreg:$0x3] =	wrdreg s2  }
0xb2: {  	[dreg:$0x4] =	wrdreg s4  }
0xb3: {  	[dreg:$0x5] =	wrdreg $0x194000  }
0xb4: {  	[dreg:$0x6] =	wrdreg $0x9  }
0xb5: {  	_ =	task.clear_ibuf [dreg:s9], $0x7FFFF;
	_ =	strace $0x90000046  }
0xb6: {  	s29 =	simm.s32 $0x9;
	_ =	strace $0x80000048  }
0xb7: {  	_ =	swait.ge [sflag:s29], $0x1  }
0xb8: {  	[sflag:s29] =	ssyncadd.s32 $0xFFFFFFFF  }
0xb9: {  	_ =	strace $0x90000048  }
0xba: {  	_ =	sfence  }
0xbb: {  	s30 =	sld [smem:$0x0];
	_ =	sdelay $0x2  }
0xbc: {  	s31 =	sshll.u32 s1, $0xD;
	s1 =	sshrl.u32 s1, $0x2  }
0xbd: {  	s3 =	sand.u32 $0x4000, s31;
	s1 =	sadd.s32 s1, s30  }
0xbe: {  	s0 =	sor.u32 s3, s0;
	s1 =	sshll.u32 s1, $0x11  }
0xbf: {  	s0 =	sor.u32 s1, s0  }
0xc0: {  	s0 =	sadd.s32 $0x8F2B, s0  }
0xc1: {  	[sflag:s0] =	ssyncadd.remote.s32 $0x1  }
0xc2: {  	_ =	sfence.sel $0xFFFF  }
0xc3: {  	[dreg:$0x0] =	wrdreg $0xFFFFFFFF;
	(pc) =	sbr.abs _section_cstart, $3  }
0xc4: {  	[dreg:$0x1] =	wrdreg $0xFFFFFFFF  }
0xc5: {  	_ =	task.clear_ibuf [dreg:s9], $0x2FFFF;
	_ =	strace $0x9FFFFFFF  }
0xc6: {  	(tm) =	ssettm $0x7FFFFFFF  }
0xc7: {  	_ =	shalt  }
tec
execute0_lowered:
.L_overlay_start_1:
0x0: {  	(tag) =	ssettag $0x1  }
0x1: {  	s8 =	rddreg [dreg:$0x0]  }
0x2: {  	s10 =	rddreg [dreg:$0x1]  }
0x3: {  	s1 =	srdreg.scid;
	s12 =	rddreg [dreg:$0x2]  }
0x4: {  	s0 =	stileid.u32;
	s2 =	rddreg [dreg:$0x3]  }
0x5: {  	s4 =	simm.s32 $0x0;
	s11 =	sand.u32 $0x1, s1;
	s14 =	smul.u32 $0x64, s0  }
0x6: {  	s25 =	sshll.u32 s0, $0x1;
	s1 =	rddreg [dreg:$0x4];
	s18 =	smul.u32 $0x19000, s0  }
0x7: {  	[smem:$0x7FF] =	sst s4;
	s15 =	sadd.s32 $0x2880, s2;
	s30 =	smul.u32 $0x3200, s0  }
0x8: {  	s28 =	sshll.u32 s0, $0xA;
	s17 =	sshll.u32 s0, $0x7;
	s16 =	smul.u32 $0x32, s11  }
0x9: {  	p0 =	sgt.u32 s0, $0x9;
	p2 =	sgt.u32 s0, $0xC;
	s29 =	smul.u32 $0xC800, s11  }
0xa: {  	s3 =	sor.u32 s11, s25;
	s6 =	ssub.s32 $0x2, s11;
	s11 =	smul.u32 $0x1900, s11  }
0xb: {  	_ =	strace $0x80000047;
	p1 =	sne.s32 @p0 s0, $0xA;
	s5 =	smul.u32 $0x190, s3  }
0xc: {  	s7 =	sshrl.u32 s6, $0x1;
	s9 =	smul.u32 $0x32, s3;
	p1 =	por p1, !p0  }
0xd: {  	s13 =	ssub.s32 s6, s7;
	s7 =	sadd.s32 $0x500, s8;
	s8 =	sadd.s32 s8, s17  }
0xe: {  	s31 =	sadd.s32 s29, s18;
	s17 =	simm.s32 $0x5;
	s5 =	sshrl.u32 s5, $0x3  }
0xf: {  	s18 =	simm.s32 $0x0;
	s26 =	sadd.s32 s10, s5;
	s5 =	sadd.s32 s10, s9  }
0x10: {  	s9 =	sadd.s32 s28, s2;
	s10 =	sadd.s32 s14, s10;
	s14 =	sadd.s32 $0x6400, s31  }
.Ltmp0:
0x11: {  	s6 =	sadd.s32 $0x640, s26;
	s19 =	sadd.s32 $0x80, s9;
	(pc) =	sbr.rel .LBB2_1-.Ltmp0, $4  }
0x12: {  	s9 =	smax.u32 s13, $0x1;
	s10 =	sadd.s32 s16, s10;
	s13 =	sadd.s32 s30, s12  }
0x13: {  	s14 =	sshrl.u32 s14, $0x3;
	s16 =	sshll.u32 @!p0 s0, $0x6;
	s10 =	sadd.s32 $0xC80, s10  }
0x14: {  	s11 =	sadd.s32 s11, s13;
	s12 =	sadd.s32 s14, s12;
	s13 =	simm.s32 $0x200  }
0x15: {  	s14 =	sshrl.u32 @!p1 s15, $0x3;
	s15 =	sor.u32 @!p0 $0x1C07, s16;
	s16 =	sshrl.u32 @!p0 s19, $0x3  }
.LBB2_5:
0x16: {  	s18 =	sadd.s32 $0x1, s18  }
0x17: {  	_ =	swait.ge [sflag:s17], $0xC800;
	p3 =	sne.s32 s18, s9  }
.Ltmp1:
0x18: {  	[sflag:s17] =	ssyncset.done $0x0;
	(pc) =	sbr.rel @!p3 .LBB2_6-.Ltmp1, $4  }
0x19: {  	s19 =	simm.s32 @!p2 $0x6;
	[sflag:s17] =	ssyncadd.s32 $0xFFFF3800  }
0x1a: {  	_ =	swait.ge @!p2 [sflag:s19], $0xC800  }
0x1b: {  	[sflag:s19] =	ssyncset.done @!p2 $0x0  }
0x1c: {  	[sflag:s19] =	ssyncadd.s32 @!p2 $0xFFFF3800  }
.LBB2_1:
0x1d: {  	[tilespmem:s4], [sflag:$0x1] =	stream.linear.gather [hbm4b:s5+s4], $0x190, $0x38;
	[tilespmem:$0x196A0] =	vst v63  }
0x1e: {  	s19 =	simm.s32 @!p1 $0x1E87  }
0x1f: {  	[tilespmem:s13], [sflag:$0x2] =	stream.linear.gather [hbm4b:s6+s4], $0x190, $0x38;
	[tilespmem:$0x196A0] =	vst v63  }
0x20: {  	[spmem:s14], [sflag:s19] =	dma.local @!p1 [hbm:s7], $0x30  }
0x21: {  	s19 =	simm.s32 @!p1 $0x7  }
0x22: {  	_ =	swait.ge @!p1 [sflag:s19], $0x30  }
0x23: {  	[sflag:s19] =	ssyncset.done @!p1 $0x0  }
0x24: {  	[sflag:s19] =	ssyncadd.s32 @!p1 $0xFFFFFFD0;
	s19 =	simm.s32 @!p0 $0x7  }
0x25: {  	[spmem:s16], [sflag:s15] =	dma.local @!p0 [hbm:s8], $0x80  }
.Ltmp2:
0x26: {  	_ =	swait.ge @!p0 [sflag:s19], $0x80;
	(pc) =	sbr.rel .LBB2_2-.Ltmp2, $4  }
0x27: {  	[sflag:s19] =	ssyncset.done @!p0 $0x0  }
0x28: {  	[sflag:s19] =	ssyncadd.s32 @!p0 $0xFFFFFF80  }
0x29: {  	s20 =	smov.u32 s11;
	s21 =	smov.u32 s10;
	[bflag:$0x0] =	sbarrier.arrive $0xFFFF  }
0x2a: {  	s22 =	simm.s32 $0x0;
	s23 =	simm.s32 $0x0;
	s19 =	smov.u32 s12  }
.LBB2_4:
0x2b: {  	s22 =	sadd.s32 $0x20, s22  }
0x2c: {  	p3 =	sne.s32 s22, $0x100  }
.Ltmp3:
0x2d: {  	_ = 	snop;
	(pc) =	sbr.rel @!p3 .LBB2_5-.Ltmp3, $3  }
0x2e: {  	_ =	sdelay $0x1  }
0x2f: {  	s23 =	sadd.s32 $0x1, s23  }
0x30: {  	s21 =	sadd.s32 $0x640, s21;
	s20 =	sadd.s32 $0x32000, s20;
	s19 =	sadd.s32 $0x32000, s19  }
.LBB2_2:
0x31: {  	s25 =	sand.u32 $0x1, s23  }
0x32: {  	s24 =	sadd.s32 s22, s3;
	p3 =	seq.s32 s25, $0x1  }
0x33: {  	p5 =	sgt.u32 @!p3 s24, $0xF9  }
0x34: {  	p4 =	por p5, p3  }
0x35: {  	s26 =	simm.s32 @!p4 $0x1;
	p6 =	slt.u32 @!p4 s23, $0x2  }
0x36: {  	_ =	swait.ge @!p4 [sflag:s26], $0x190;
	p5 =	por @!p3 p6, p5  }
0x37: {  	[sflag:s26] =	ssyncset.done @!p4 $0x0;
	p5 =	por p5, p3  }
0x38: {  	[sflag:s26] =	ssyncadd.s32 @!p4 $0xFFFFFE70;
	s26 =	simm.s32 @!p5 $0x5  }
0x39: {  	_ =	swait.ge @!p5 [sflag:s26], $0xC800  }
0x3a: {  	s28 =	simm.s32 @!p4 $0x0;
	s29 =	simm.s32 @!p4 $0x400;
	[sflag:s26] =	ssyncset.done @!p5 $0x0  }
0x3b: {  	s30 =	simm.s32 @!p4 $0x3;
	[sflag:s26] =	ssyncadd.s32 @!p5 $0xFFFF3800;
	s26 =	simm.s32 @!p4 $0xC8  }
0x3c: {  	[tilespmem:s29], [sflag:$0x3] =	stream.indirect.gather @!p4 [spmem:s2], $0x80, s28, s26, $0xb8;
	[tilespmem:$0x196A0] =	vst v63  }
0x3d: {  	_ =	swait.ge @!p4 [sflag:s30], $0x6400  }
0x3e: {  	[sflag:s30] =	ssyncset.done @!p4 $0x0  }
0x3f: {  	[sflag:s30] =	ssyncadd.s32 @!p4 $0xFFFF9C00  }
0x40: {  	[hbm4b:s20+s28] =	stream.linear.scatter @!p4 [tilespmem:s29], [sflag:$0x5], $0x6400, $0x38;
	[tilespmem:$0x196A0] =	vst v63  }
0x41: {  	s29 =	simm.s32 @!p4 $0x6800  }
0x42: {  	[tilespmem:s29], [sflag:$0x3] =	stream.indirect.gather @!p4 [spmem:s2], $0x80, s26, s26, $0xb8;
	[tilespmem:$0x196A0] =	vst v63  }
0x43: {  	_ =	swait.ge @!p4 [sflag:s30], $0x6400  }
0x44: {  	s26 =	sadd.s32 @!p3 s22, s3;
	[sflag:s30] =	ssyncset.done @!p4 $0x0  }
0x45: {  	s26 =	sadd.s32 @!p3 $0x40, s26;
	[sflag:s30] =	ssyncadd.s32 @!p4 $0xFFFF9C00  }
0x46: {  	[hbm4b:s19+s28] =	stream.linear.scatter @!p4 [tilespmem:s29], [sflag:$0x5], $0x6400, $0x38;
	[tilespmem:$0x196A0] =	vst v63  }
0x47: {  	p4 =	sgt.u32 @!p3 s26, $0xF9  }
0x48: {  	p4 =	por p4, p3  }
0x49: {  	s26 =	simm.s32 @!p4 $0x0  }
0x4a: {  	[tilespmem:s26], [sflag:$0x1] =	stream.linear.gather @!p4 [hbm4b:s21+s26], $0x190, $0x38;
	[tilespmem:$0x196A0] =	vst v63  }
0x4b: {  	p4 =	seq.s32 @!p3 s25, $0x0  }
0x4c: {  	p3 =	por p3, !p4  }
.Ltmp4:
0x4d: {  	_ = 	snop;
	(pc) =	sbr.rel @!p3 .LBB2_4-.Ltmp4, $1  }
0x4e: {  	_ =	sdelay $0x3  }
0x4f: {  	p3 =	sgt.u32 s24, $0xF9  }
0x50: {  	s25 =	simm.s32 @!p3 $0x2  }
0x51: {  	p4 =	slt.u32 @!p3 s23, $0x2;
	_ =	swait.ge @!p3 [sflag:s25], $0x190  }
0x52: {  	p4 =	por p4, p3;
	[sflag:s25] =	ssyncset.done @!p3 $0x0  }
0x53: {  	[sflag:s25] =	ssyncadd.s32 @!p3 $0xFFFFFE70;
	s25 =	simm.s32 @!p4 $0x6  }
0x54: {  	_ =	swait.ge @!p4 [sflag:s25], $0xC800  }
0x55: {  	s26 =	simm.s32 @!p3 $0x200;
	[sflag:s25] =	ssyncset.done @!p4 $0x0  }
0x56: {  	s28 =	simm.s32 @!p3 $0xCC00;
	[sflag:s25] =	ssyncadd.s32 @!p4 $0xFFFF3800;
	s25 =	simm.s32 @!p3 $0xC8  }
0x57: {  	[tilespmem:s28], [sflag:$0x4] =	stream.indirect.gather @!p3 [spmem:s2], $0x80, s26, s25, $0xb8;
	[tilespmem:$0x196A0] =	vst v63  }
0x58: {  	s26 =	simm.s32 @!p3 $0x4  }
0x59: {  	_ =	swait.ge @!p3 [sflag:s26], $0x6400  }
0x5a: {  	[sflag:s26] =	ssyncset.done @!p3 $0x0  }
0x5b: {  	s29 =	simm.s32 @!p3 $0x0;
	[sflag:s26] =	ssyncadd.s32 @!p3 $0xFFFF9C00  }
0x5c: {  	[hbm4b:s20+s29] =	stream.linear.scatter @!p3 [tilespmem:s28], [sflag:$0x6], $0x6400, $0x38;
	[tilespmem:$0x196A0] =	vst v63  }
0x5d: {  	s30 =	simm.s32 @!p3 $0x13000;
	s28 =	simm.s32 @!p3 $0x2C8  }
0x5e: {  	[tilespmem:s30], [sflag:$0x4] =	stream.indirect.gather @!p3 [spmem:s2], $0x80, s28, s25, $0xb8;
	[tilespmem:$0x196A0] =	vst v63  }
0x5f: {  	_ =	swait.ge @!p3 [sflag:s26], $0x6400  }
0x60: {  	[sflag:s26] =	ssyncset.done @!p3 $0x0  }
.Ltmp5:
0x61: {  	s31 =	sadd.s32 $0x40, s24;
	[sflag:s26] =	ssyncadd.s32 @!p3 $0xFFFF9C00;
	(pc) =	sbr.rel .LBB2_4-.Ltmp5, $4  }
0x62: {  	[hbm4b:s19+s29] =	stream.linear.scatter @!p3 [tilespmem:s30], [sflag:$0x6], $0x6400, $0x38;
	[tilespmem:$0x196A0] =	vst v63  }
0x63: {  	p3 =	sgt.u32 s31, $0xF9  }
0x64: {  	s24 =	simm.s32 @!p3 $0x0;
	s25 =	simm.s32 @!p3 $0x200  }
0x65: {  	[tilespmem:s25], [sflag:$0x2] =	stream.linear.gather @!p3 [hbm4b:s21+s24], $0x190, $0x38;
	[tilespmem:$0x196A0] =	vst v63  }
.LBB2_6:
0x66: {  	_ =	sfence.sel $0x180000  }
0x67: {  	[bflag:$0x0] =	sbarrier.arrive $0xFFFF  }
0x68: {  	p0 =	sne.s32 s0, $0x0;
	_ =	strace $0x90000047  }
0x69: {  	s0 =	sadd.s32 @!p0 $0x100000, s1;
	[bflag:$0x2] =	sbarrier.arrive $0xFFFF  }
0x6a: {  	[sflag:s0] =	ssyncadd.tile.s32 @!p0 $0x1;
	_ =	shalt  }
.Lfunc_end2:
_tile_overlayer_lowered:
.L_overlay_start_2:
0x6b: {  	(tag) =	ssettag $0x2  }
0x6c: {  	s0 =	rddreg [dreg:$0x0];
	s2 =	stileid.u32  }
0x6d: {  	s1 =	rddreg [dreg:$0x1];
	p0 =	sne.s32 s2, $0x0  }
0x6e: {  	s3 =	rddreg [dreg:$0x2];
	[bflag:$0x3] =	sbarrier.arrive $0xFFFF;
	s2 =	simm.s32 @!p0 $0x1C07  }
0x6f: {  	[timem:s3], [sflag:s2] =	dma.local @!p0 [hbm:s0], s1  }
0x70: {  	s0 =	simm.s32 @!p0 $0x7  }
0x71: {  	_ =	swait.ge @!p0 [sflag:s0], s1  }
0x72: {  	s1 =	ssub.s32 @!p0 $0x0, s1;
	[sflag:s0] =	ssyncset.done @!p0 $0x0  }
0x73: {  	[sflag:s0] =	ssyncadd.s32 @!p0 s1  }
0x74: {  	[bflag:$0x3] =	sbarrier.arrive $0xFFFF  }
0x75: {  	_ =	shalt  }

</sc_bundles>
